<compile_context>
chip_gen: v7x
topology: tpu7x:2x2x1
jax: 0.10.2.dev20260603
libtpu: 0.0.44.dev20260713+nightly
codegen_flags: <defaults>
</compile_context>

<pallas_src>
import functools

import jax
import jax.numpy as jnp
from jax import lax
from jax.experimental import pallas as pl
from jax.experimental.pallas import tpu as pltpu
from jax.experimental.pallas import tpu_sc as plsc

ROWS = 64
COLS = 8192
LANES = 16
NUM_CORES = 2
NUM_SUBCORES = 16
NUM_WORKERS = NUM_CORES * NUM_SUBCORES
ROWS_PER_WORKER = ROWS // NUM_WORKERS
CHUNKS = COLS // LANES


def _row_top3(dbuf, r, lane):

    def scan_body(i, carry):
        m1, m2, m3, i1, i2, i3, idx = carry
        v = jnp.abs(dbuf[r, pl.ds(i * LANES, LANES)])
        gt1 = v > m1
        gt2 = v > m2
        gt3 = v > m3
        nm1 = jnp.where(gt1, v, m1)
        ni1 = jnp.where(gt1, idx, i1)
        nm2 = jnp.where(gt1, m1, jnp.where(gt2, v, m2))
        ni2 = jnp.where(gt1, i1, jnp.where(gt2, idx, i2))
        nm3 = jnp.where(gt2, m2, jnp.where(gt3, v, m3))
        ni3 = jnp.where(gt2, i2, jnp.where(gt3, idx, i3))
        return nm1, nm2, nm3, ni1, ni2, ni3, idx + LANES

    neg = jnp.full((LANES,), -1.0, jnp.float32)
    zero_i = jnp.zeros((LANES,), jnp.int32)
    m1, m2, m3, i1, i2, i3, _ = lax.fori_loop(
        0, CHUNKS, scan_body, (neg, neg, neg, zero_i, zero_i, zero_i, lane)
    )

    winners = []
    for _ in range(3):
        g = jnp.max(m1)
        elig = m1 == g
        cand = jnp.where(elig, i1, COLS)
        w = jnp.min(cand)
        winners.append(w)
        sel = elig & (i1 == w)
        m1 = jnp.where(sel, m2, m1)
        i1 = jnp.where(sel, i2, i1)
        m2 = jnp.where(sel, m3, m2)
        i2 = jnp.where(sel, i3, i2)
        m3 = jnp.where(sel, -1.0, m3)
    return winners


def _body(diff_hbm, w_hbm, gate_hbm, out_hbm, dbuf, obuf, gbuf, sd, sw, sg):
    wid = lax.axis_index("s") * NUM_CORES + lax.axis_index("c")
    r0 = wid * ROWS_PER_WORKER
    cp_d = pltpu.async_copy(diff_hbm.at[pl.ds(r0, ROWS_PER_WORKER)], dbuf, sd)
    cp_w = pltpu.async_copy(w_hbm.at[pl.ds(r0, ROWS_PER_WORKER)], obuf, sw)
    cp_g = pltpu.async_copy(gate_hbm, gbuf, sg)
    cp_d.wait()

    lane = lax.iota(jnp.int32, LANES)
    row_winners = [_row_top3(dbuf, r, lane) for r in range(ROWS_PER_WORKER)]

    cp_w.wait()
    cp_g.wait()
    gate = gbuf[...]
    mask = lane < 3
    zero_i = jnp.zeros((LANES,), jnp.int32)
    for r, (w0, w1, w2) in enumerate(row_winners):
        idxv = jnp.where(
            lane == 0, w0, jnp.where(lane == 1, w1, jnp.where(lane == 2, w2, zero_i))
        )
        rowv = jnp.full((LANES,), r, jnp.int32)
        plsc.addupdate_scatter(obuf, [rowv, idxv], gate, mask=mask)
    pltpu.sync_copy(obuf, out_hbm.at[pl.ds(r0, ROWS_PER_WORKER)])


@jax.jit
def _top3_sc(difference, weight, gate):
    mesh = plsc.VectorSubcoreMesh(
        core_axis_name="c",
        subcore_axis_name="s",
        num_cores=NUM_CORES,
        num_subcores=NUM_SUBCORES,
    )
    fn = pl.kernel(
        _body,
        out_type=jax.ShapeDtypeStruct((ROWS, COLS), jnp.float32),
        mesh=mesh,
        scratch_types=[
            pltpu.VMEM((ROWS_PER_WORKER, COLS), jnp.float32),
            pltpu.VMEM((ROWS_PER_WORKER, COLS), jnp.float32),
            pltpu.VMEM((LANES,), jnp.float32),
            pltpu.SemaphoreType.DMA,
            pltpu.SemaphoreType.DMA,
            pltpu.SemaphoreType.DMA,
        ],
        compiler_params=pltpu.CompilerParams(needs_layout_passes=False),
    )
    return fn(difference, weight, gate)


def kernel(difference, weight, epoch):
    epoch_i = jnp.asarray(epoch, jnp.int32)
    cond = (1000 < epoch_i) & (epoch_i < 18000) & (epoch_i % 200 == 0)
    gate = jnp.where(cond, jnp.float32(1.0), jnp.float32(0.0))
    gate_v = jnp.broadcast_to(gate, (LANES,))
    return _top3_sc(difference, weight, gate_v)

# --- scband reference (transcript-rebuilt; emitter-appended) ---
"""Pipeline reference for scband-max1-80719615361731 (READ-ONLY COPY).

The authoritative reference and input builder live on the scoring server;
editing this copy changes nothing except your own understanding.
"""

import jax, jax.numpy as jnp
import numpy as np


def setup_inputs(seed: int = 0) -> dict:
    key = jax.random.key(seed)
    difference = jax.random.normal(key, (64, 8192), dtype=jnp.float32)
    # learned/state parameter `weight` from __init__, same shape as difference
    weight = jnp.zeros((64, 8192), dtype=jnp.float32)
    epoch = 1200  # satisfies 1000 < epoch < 18000 and epoch % 200 == 0
    return {"difference": difference, "weight": weight, "epoch": epoch}


def reference(difference, weight, epoch):
    # Faithful translation of Max1.forward: every 200 epochs in (1000, 18000),
    # find the top-3 |difference| entries per batch row and add a 1-valued mask
    # at those positions onto the running weight. Otherwise return weight.
    cond = (1000 < epoch) & (epoch < 18000) & (epoch % 200 == 0)
    batch_size = difference.shape[0]
    top_n = 3
    flat = difference.reshape(batch_size, -1)
    _, top_idxs = jax.lax.top_k(jnp.abs(flat), top_n)  # [B, 3]
    row_idx = jnp.arange(batch_size)[:, None]
    add_flat = jnp.zeros_like(flat).at[row_idx, top_idxs].set(1.0)
    add_weight = add_flat.reshape(difference.shape)
    new_weight = add_weight + weight
    return jnp.where(cond, new_weight, weight)

if __name__ == "__main__":
    import jax
    _d = setup_inputs()
    print(jax.jit(kernel)(*tuple(_d.values())))

</pallas_src>

<mosaic_0001>
#map = affine_map<(d0, d1) -> (0, 0)>
#map1 = affine_map<(d0, d1) -> (0)>
module attributes {stable_mosaic.version = 14 : i64} {
  func.func @_body(%arg0: i32, %arg1: i32, %arg2: memref<64x8192xf32, #tpu.memory_space<hbm>>, %arg3: memref<64x8192xf32, #tpu.memory_space<hbm>>, %arg4: memref<16xf32, #tpu.memory_space<hbm>>, %arg5: memref<64x8192xf32, #tpu.memory_space<hbm>>, %arg6: memref<2x8192xf32, #tpu.memory_space<vmem>>, %arg7: memref<2x8192xf32, #tpu.memory_space<vmem>>, %arg8: memref<16xf32, #tpu.memory_space<vmem>>, %arg9: memref<!tpu.dma_semaphore, #tpu.memory_space<semaphore_mem>>, %arg10: memref<!tpu.dma_semaphore, #tpu.memory_space<semaphore_mem>>, %arg11: memref<!tpu.dma_semaphore, #tpu.memory_space<semaphore_mem>>) attributes {dimension_semantics = [#tpu.dimension_semantics<core_parallel>, #tpu.dimension_semantics<subcore_parallel>], iteration_bounds = array<i64: 2, 16>, scalar_prefetch = 0 : i64, scratch_operands = 6 : i64, tpu.core_type = #tpu.core_type<sc_vector_subcore>, window_params = [{transform_indices = #map}, {transform_indices = #map}, {transform_indices = #map1}, {transform_indices = #map}]} {
    %mul3A = arith.constant 2 : i32
    %mul3A_0 = arith.muli %arg1, %mul3A : i32
    %add3A = arith.addi %mul3A_0, %arg0 : i32
    %mul3A_1 = arith.constant 2 : i32
    %mul3A_2 = arith.muli %add3A, %mul3A_1 : i32
    %dma_start3A = arith.constant 0 : i32
    %dma_start3A_3 = tpu.memref_slice %arg2[%mul3A_2, %dma_start3A] : memref<64x8192xf32, #tpu.memory_space<hbm>> -> memref<2x8192xf32, #tpu.memory_space<hbm>>
    %dma_start3A_4 = arith.constant 0 : i32
    %dma_start3A_5 = tpu.memref_slice %arg2[%mul3A_2, %dma_start3A_4] : memref<64x8192xf32, #tpu.memory_space<hbm>> -> memref<2x8192xf32, #tpu.memory_space<hbm>>
    tpu.enqueue_dma source(%dma_start3A_5 : memref<2x8192xf32, #tpu.memory_space<hbm>>) target(%arg6 : memref<2x8192xf32, #tpu.memory_space<vmem>>) target_semaphore(%arg9 : memref<!tpu.dma_semaphore, #tpu.memory_space<semaphore_mem>>)
    %dma_start3A_6 = arith.constant 0 : i32
    %dma_start3A_7 = tpu.memref_slice %arg3[%mul3A_2, %dma_start3A_6] : memref<64x8192xf32, #tpu.memory_space<hbm>> -> memref<2x8192xf32, #tpu.memory_space<hbm>>
    %dma_start3A_8 = arith.constant 0 : i32
    %dma_start3A_9 = tpu.memref_slice %arg3[%mul3A_2, %dma_start3A_8] : memref<64x8192xf32, #tpu.memory_space<hbm>> -> memref<2x8192xf32, #tpu.memory_space<hbm>>
    tpu.enqueue_dma source(%dma_start3A_9 : memref<2x8192xf32, #tpu.memory_space<hbm>>) target(%arg7 : memref<2x8192xf32, #tpu.memory_space<vmem>>) target_semaphore(%arg10 : memref<!tpu.dma_semaphore, #tpu.memory_space<semaphore_mem>>)
    tpu.enqueue_dma source(%arg4 : memref<16xf32, #tpu.memory_space<hbm>>) target(%arg8 : memref<16xf32, #tpu.memory_space<vmem>>) target_semaphore(%arg11 : memref<!tpu.dma_semaphore, #tpu.memory_space<semaphore_mem>>)
    %dma_wait3A = arith.constant 0 : i32
    %dma_wait3A_10 = tpu.memref_slice %arg2[%mul3A_2, %dma_wait3A] : memref<64x8192xf32, #tpu.memory_space<hbm>> -> memref<2x8192xf32, #tpu.memory_space<hbm>>
    %dma_wait3A_11 = arith.constant 0 : i32
    %dma_wait3A_12 = tpu.memref_slice %arg2[%mul3A_2, %dma_wait3A_11] : memref<64x8192xf32, #tpu.memory_space<hbm>> -> memref<2x8192xf32, #tpu.memory_space<hbm>>
    tpu.wait_dma2 semaphore(%arg9 : memref<!tpu.dma_semaphore, #tpu.memory_space<semaphore_mem>>) src(%dma_wait3A_12 : memref<2x8192xf32, #tpu.memory_space<hbm>>) dst(%arg6 : memref<2x8192xf32, #tpu.memory_space<vmem>>)
    %iota3A = tpu.iota {dimensions = array<i32: 0>} : vector<16xi32>
    %broadcast_in_dim3A = arith.constant -1.000000e+00 : f32
    %broadcast_in_dim3A_13 = vector.broadcast %broadcast_in_dim3A : f32 to vector<16xf32>
    %broadcast_in_dim3A_14 = arith.constant 0 : i32
    %broadcast_in_dim3A_15 = vector.broadcast %broadcast_in_dim3A_14 : i32 to vector<16xi32>
    %scan3A = arith.constant 0 : i32
    %scan3A_16 = arith.constant 512 : i32
    %scan3A_17 = arith.addi %scan3A, %scan3A_16 : i32
    %scan3A_18 = arith.constant 1 : i32
    %scan3A_19:7 = scf.for %scan3A_230 = %scan3A to %scan3A_17 step %scan3A_18 iter_args(%scan3A_231 = %broadcast_in_dim3A_13, %scan3A_232 = %broadcast_in_dim3A_13, %scan3A_233 = %broadcast_in_dim3A_13, %scan3A_234 = %broadcast_in_dim3A_15, %scan3A_235 = %broadcast_in_dim3A_15, %scan3A_236 = %broadcast_in_dim3A_15, %scan3A_237 = %iota3A) -> (vector<16xf32>, vector<16xf32>, vector<16xf32>, vector<16xi32>, vector<16xi32>, vector<16xi32>, vector<16xi32>)  : i32 {
      %mul3A_238 = arith.constant 16 : i32
      %mul3A_239 = arith.muli %scan3A_230, %mul3A_238 : i32
      %get3A_240 = arith.constant 0 : i32
      %get3A_241 = arith.index_cast %get3A_240 : i32 to index
      %get3A_242 = arith.index_cast %mul3A_239 : i32 to index
      %get3A_243 = tpu.vector_load %arg6[%get3A_241, %get3A_242] {strides = array<i32>} : memref<2x8192xf32, #tpu.memory_space<vmem>>, vector<16xf32>,
      %abs3A = math.absf %get3A_243 : vector<16xf32>
      %gt3A = arith.cmpf ogt, %abs3A, %scan3A_231 : vector<16xf32>
      %gt3A_244 = arith.cmpf ogt, %abs3A, %scan3A_232 : vector<16xf32>
      %gt3A_245 = arith.cmpf ogt, %abs3A, %scan3A_233 : vector<16xf32>
      %select_n3A_246 = arith.select %gt3A, %abs3A, %scan3A_231 : vector<16xi1>, vector<16xf32>
      %select_n3A_247 = arith.select %gt3A, %scan3A_237, %scan3A_234 : vector<16xi1>, vector<16xi32>
      %select_n3A_248 = arith.select %gt3A_244, %abs3A, %scan3A_232 : vector<16xi1>, vector<16xf32>
      %select_n3A_249 = arith.select %gt3A, %scan3A_231, %select_n3A_248 : vector<16xi1>, vector<16xf32>
      %select_n3A_250 = arith.select %gt3A_244, %scan3A_237, %scan3A_235 : vector<16xi1>, vector<16xi32>
      %select_n3A_251 = arith.select %gt3A, %scan3A_234, %select_n3A_250 : vector<16xi1>, vector<16xi32>
      %select_n3A_252 = arith.select %gt3A_245, %abs3A, %scan3A_233 : vector<16xi1>, vector<16xf32>
      %select_n3A_253 = arith.select %gt3A_244, %scan3A_232, %select_n3A_252 : vector<16xi1>, vector<16xf32>
      %select_n3A_254 = arith.select %gt3A_245, %scan3A_237, %scan3A_236 : vector<16xi1>, vector<16xi32>
      %select_n3A_255 = arith.select %gt3A_244, %scan3A_235, %select_n3A_254 : vector<16xi1>, vector<16xi32>
      %add3A_256 = arith.constant 16 : i32
      %add3A_257 = vector.broadcast %add3A_256 : i32 to vector<16xi32>
      %add3A_258 = arith.addi %scan3A_237, %add3A_257 : vector<16xi32>
      scf.yield %select_n3A_246, %select_n3A_249, %select_n3A_253, %select_n3A_247, %select_n3A_251, %select_n3A_255, %add3A_258 : vector<16xf32>, vector<16xf32>, vector<16xf32>, vector<16xi32>, vector<16xi32>, vector<16xi32>, vector<16xi32>
    }
    %scan3A_20 = arith.constant 512 : i32
    %reduce_max3A = arith.constant true
    %reduce_max3A_21 = vector.broadcast %reduce_max3A : i1 to vector<16xi1>
    %reduce_max3A_22 = tpu.scan <max>, %scan3A_19#0 masked %reduce_max3A_21 : vector<16xf32>, vector<16xi1> -> vector<16xf32>
    %reduce_max3A_23 = vector.extract %reduce_max3A_22[15] : f32 from vector<16xf32>
    %eq3A = vector.broadcast %reduce_max3A_23 : f32 to vector<16xf32>
    %eq3A_24 = arith.cmpf oeq, %scan3A_19#0, %eq3A : vector<16xf32>
    %jit3A = arith.constant 8192 : i32
    %broadcast_in_dim3A_25 = vector.broadcast %jit3A : i32 to vector<16xi32>
    %select_n3A = arith.select %eq3A_24, %scan3A_19#3, %broadcast_in_dim3A_25 : vector<16xi1>, vector<16xi32>
    %reduce_min3A = arith.constant true
    %reduce_min3A_26 = vector.broadcast %reduce_min3A : i1 to vector<16xi1>
    %reduce_min3A_27 = arith.constant -2147483648 : i32
    %reduce_min3A_28 = vector.broadcast %reduce_min3A_27 : i32 to vector<16xi32>
    %reduce_min3A_29 = arith.xori %select_n3A, %reduce_min3A_28 : vector<16xi32>
    %reduce_min3A_30 = tpu.scan <min>, %reduce_min3A_29 masked %reduce_min3A_26 : vector<16xi32>, vector<16xi1> -> vector<16xi32>
    %reduce_min3A_31 = arith.xori %reduce_min3A_30, %reduce_min3A_28 : vector<16xi32>
    %reduce_min3A_32 = vector.extract %reduce_min3A_31[15] : i32 from vector<16xi32>
    %eq3A_33 = vector.broadcast %reduce_min3A_32 : i32 to vector<16xi32>
    %eq3A_34 = arith.cmpi eq, %scan3A_19#3, %eq3A_33 : vector<16xi32>
    %and3A = arith.andi %eq3A_24, %eq3A_34 : vector<16xi1>
    %select_n3A_35 = arith.select %and3A, %scan3A_19#1, %scan3A_19#0 : vector<16xi1>, vector<16xf32>
    %select_n3A_36 = arith.select %and3A, %scan3A_19#4, %scan3A_19#3 : vector<16xi1>, vector<16xi32>
    %select_n3A_37 = arith.select %and3A, %scan3A_19#2, %scan3A_19#1 : vector<16xi1>, vector<16xf32>
    %select_n3A_38 = arith.select %and3A, %scan3A_19#5, %scan3A_19#4 : vector<16xi1>, vector<16xi32>
    %jit3A_39 = arith.constant -1.000000e+00 : f32
    %broadcast_in_dim3A_40 = vector.broadcast %jit3A_39 : f32 to vector<16xf32>
    %select_n3A_41 = arith.select %and3A, %broadcast_in_dim3A_40, %scan3A_19#2 : vector<16xi1>, vector<16xf32>
    %reduce_max3A_42 = arith.constant true
    %reduce_max3A_43 = vector.broadcast %reduce_max3A_42 : i1 to vector<16xi1>
    %reduce_max3A_44 = tpu.scan <max>, %select_n3A_35 masked %reduce_max3A_43 : vector<16xf32>, vector<16xi1> -> vector<16xf32>
    %reduce_max3A_45 = vector.extract %reduce_max3A_44[15] : f32 from vector<16xf32>
    %eq3A_46 = vector.broadcast %reduce_max3A_45 : f32 to vector<16xf32>
    %eq3A_47 = arith.cmpf oeq, %select_n3A_35, %eq3A_46 : vector<16xf32>
    %jit3A_48 = arith.constant 8192 : i32
    %broadcast_in_dim3A_49 = vector.broadcast %jit3A_48 : i32 to vector<16xi32>
    %select_n3A_50 = arith.select %eq3A_47, %select_n3A_36, %broadcast_in_dim3A_49 : vector<16xi1>, vector<16xi32>
    %reduce_min3A_51 = arith.constant true
    %reduce_min3A_52 = vector.broadcast %reduce_min3A_51 : i1 to vector<16xi1>
    %reduce_min3A_53 = arith.constant -2147483648 : i32
    %reduce_min3A_54 = vector.broadcast %reduce_min3A_53 : i32 to vector<16xi32>
    %reduce_min3A_55 = arith.xori %select_n3A_50, %reduce_min3A_54 : vector<16xi32>
    %reduce_min3A_56 = tpu.scan <min>, %reduce_min3A_55 masked %reduce_min3A_52 : vector<16xi32>, vector<16xi1> -> vector<16xi32>
    %reduce_min3A_57 = arith.xori %reduce_min3A_56, %reduce_min3A_54 : vector<16xi32>
    %reduce_min3A_58 = vector.extract %reduce_min3A_57[15] : i32 from vector<16xi32>
    %eq3A_59 = vector.broadcast %reduce_min3A_58 : i32 to vector<16xi32>
    %eq3A_60 = arith.cmpi eq, %select_n3A_36, %eq3A_59 : vector<16xi32>
    %and3A_61 = arith.andi %eq3A_47, %eq3A_60 : vector<16xi1>
    %select_n3A_62 = arith.select %and3A_61, %select_n3A_37, %select_n3A_35 : vector<16xi1>, vector<16xf32>
    %select_n3A_63 = arith.select %and3A_61, %select_n3A_38, %select_n3A_36 : vector<16xi1>, vector<16xi32>
    %select_n3A_64 = arith.select %and3A_61, %select_n3A_41, %select_n3A_37 : vector<16xi1>, vector<16xf32>
    %select_n3A_65 = arith.select %and3A_61, %scan3A_19#5, %select_n3A_38 : vector<16xi1>, vector<16xi32>
    %jit3A_66 = arith.constant -1.000000e+00 : f32
    %broadcast_in_dim3A_67 = vector.broadcast %jit3A_66 : f32 to vector<16xf32>
    %select_n3A_68 = arith.select %and3A_61, %broadcast_in_dim3A_67, %select_n3A_41 : vector<16xi1>, vector<16xf32>
    %reduce_max3A_69 = arith.constant true
    %reduce_max3A_70 = vector.broadcast %reduce_max3A_69 : i1 to vector<16xi1>
    %reduce_max3A_71 = tpu.scan <max>, %select_n3A_62 masked %reduce_max3A_70 : vector<16xf32>, vector<16xi1> -> vector<16xf32>
    %reduce_max3A_72 = vector.extract %reduce_max3A_71[15] : f32 from vector<16xf32>
    %eq3A_73 = vector.broadcast %reduce_max3A_72 : f32 to vector<16xf32>
    %eq3A_74 = arith.cmpf oeq, %select_n3A_62, %eq3A_73 : vector<16xf32>
    %jit3A_75 = arith.constant 8192 : i32
    %broadcast_in_dim3A_76 = vector.broadcast %jit3A_75 : i32 to vector<16xi32>
    %select_n3A_77 = arith.select %eq3A_74, %select_n3A_63, %broadcast_in_dim3A_76 : vector<16xi1>, vector<16xi32>
    %reduce_min3A_78 = arith.constant true
    %reduce_min3A_79 = vector.broadcast %reduce_min3A_78 : i1 to vector<16xi1>
    %reduce_min3A_80 = arith.constant -2147483648 : i32
    %reduce_min3A_81 = vector.broadcast %reduce_min3A_80 : i32 to vector<16xi32>
    %reduce_min3A_82 = arith.xori %select_n3A_77, %reduce_min3A_81 : vector<16xi32>
    %reduce_min3A_83 = tpu.scan <min>, %reduce_min3A_82 masked %reduce_min3A_79 : vector<16xi32>, vector<16xi1> -> vector<16xi32>
    %reduce_min3A_84 = arith.xori %reduce_min3A_83, %reduce_min3A_81 : vector<16xi32>
    %reduce_min3A_85 = vector.extract %reduce_min3A_84[15] : i32 from vector<16xi32>
    %eq3A_86 = vector.broadcast %reduce_min3A_85 : i32 to vector<16xi32>
    %eq3A_87 = arith.cmpi eq, %select_n3A_63, %eq3A_86 : vector<16xi32>
    %and3A_88 = arith.andi %eq3A_74, %eq3A_87 : vector<16xi1>
    %select_n3A_89 = arith.select %and3A_88, %select_n3A_64, %select_n3A_62 : vector<16xi1>, vector<16xf32>
    %select_n3A_90 = arith.select %and3A_88, %select_n3A_65, %select_n3A_63 : vector<16xi1>, vector<16xi32>
    %select_n3A_91 = arith.select %and3A_88, %select_n3A_68, %select_n3A_64 : vector<16xi1>, vector<16xf32>
    %select_n3A_92 = arith.select %and3A_88, %scan3A_19#5, %select_n3A_65 : vector<16xi1>, vector<16xi32>
    %jit3A_93 = arith.constant -1.000000e+00 : f32
    %broadcast_in_dim3A_94 = vector.broadcast %jit3A_93 : f32 to vector<16xf32>
    %select_n3A_95 = arith.select %and3A_88, %broadcast_in_dim3A_94, %select_n3A_68 : vector<16xi1>, vector<16xf32>
    %broadcast_in_dim3A_96 = arith.constant -1.000000e+00 : f32
    %broadcast_in_dim3A_97 = vector.broadcast %broadcast_in_dim3A_96 : f32 to vector<16xf32>
    %broadcast_in_dim3A_98 = arith.constant 0 : i32
    %broadcast_in_dim3A_99 = vector.broadcast %broadcast_in_dim3A_98 : i32 to vector<16xi32>
    %scan3A_100 = arith.constant 0 : i32
    %scan3A_101 = arith.constant 512 : i32
    %scan3A_102 = arith.addi %scan3A_100, %scan3A_101 : i32
    %scan3A_103 = arith.constant 1 : i32
    %scan3A_104:7 = scf.for %scan3A_230 = %scan3A_100 to %scan3A_102 step %scan3A_103 iter_args(%scan3A_231 = %broadcast_in_dim3A_97, %scan3A_232 = %broadcast_in_dim3A_97, %scan3A_233 = %broadcast_in_dim3A_97, %scan3A_234 = %broadcast_in_dim3A_99, %scan3A_235 = %broadcast_in_dim3A_99, %scan3A_236 = %broadcast_in_dim3A_99, %scan3A_237 = %iota3A) -> (vector<16xf32>, vector<16xf32>, vector<16xf32>, vector<16xi32>, vector<16xi32>, vector<16xi32>, vector<16xi32>)  : i32 {
      %mul3A_238 = arith.constant 16 : i32
      %mul3A_239 = arith.muli %scan3A_230, %mul3A_238 : i32
      %get3A_240 = arith.constant 1 : i32
      %get3A_241 = arith.index_cast %get3A_240 : i32 to index
      %get3A_242 = arith.index_cast %mul3A_239 : i32 to index
      %get3A_243 = tpu.vector_load %arg6[%get3A_241, %get3A_242] {strides = array<i32>} : memref<2x8192xf32, #tpu.memory_space<vmem>>, vector<16xf32>,
      %abs3A = math.absf %get3A_243 : vector<16xf32>
      %gt3A = arith.cmpf ogt, %abs3A, %scan3A_231 : vector<16xf32>
      %gt3A_244 = arith.cmpf ogt, %abs3A, %scan3A_232 : vector<16xf32>
      %gt3A_245 = arith.cmpf ogt, %abs3A, %scan3A_233 : vector<16xf32>
      %select_n3A_246 = arith.select %gt3A, %abs3A, %scan3A_231 : vector<16xi1>, vector<16xf32>
      %select_n3A_247 = arith.select %gt3A, %scan3A_237, %scan3A_234 : vector<16xi1>, vector<16xi32>
      %select_n3A_248 = arith.select %gt3A_244, %abs3A, %scan3A_232 : vector<16xi1>, vector<16xf32>
      %select_n3A_249 = arith.select %gt3A, %scan3A_231, %select_n3A_248 : vector<16xi1>, vector<16xf32>
      %select_n3A_250 = arith.select %gt3A_244, %scan3A_237, %scan3A_235 : vector<16xi1>, vector<16xi32>
      %select_n3A_251 = arith.select %gt3A, %scan3A_234, %select_n3A_250 : vector<16xi1>, vector<16xi32>
      %select_n3A_252 = arith.select %gt3A_245, %abs3A, %scan3A_233 : vector<16xi1>, vector<16xf32>
      %select_n3A_253 = arith.select %gt3A_244, %scan3A_232, %select_n3A_252 : vector<16xi1>, vector<16xf32>
      %select_n3A_254 = arith.select %gt3A_245, %scan3A_237, %scan3A_236 : vector<16xi1>, vector<16xi32>
      %select_n3A_255 = arith.select %gt3A_244, %scan3A_235, %select_n3A_254 : vector<16xi1>, vector<16xi32>
      %add3A_256 = arith.constant 16 : i32
      %add3A_257 = vector.broadcast %add3A_256 : i32 to vector<16xi32>
      %add3A_258 = arith.addi %scan3A_237, %add3A_257 : vector<16xi32>
      scf.yield %select_n3A_246, %select_n3A_249, %select_n3A_253, %select_n3A_247, %select_n3A_251, %select_n3A_255, %add3A_258 : vector<16xf32>, vector<16xf32>, vector<16xf32>, vector<16xi32>, vector<16xi32>, vector<16xi32>, vector<16xi32>
    }
    %scan3A_105 = arith.constant 512 : i32
    %reduce_max3A_106 = arith.constant true
    %reduce_max3A_107 = vector.broadcast %reduce_max3A_106 : i1 to vector<16xi1>
    %reduce_max3A_108 = tpu.scan <max>, %scan3A_104#0 masked %reduce_max3A_107 : vector<16xf32>, vector<16xi1> -> vector<16xf32>
    %reduce_max3A_109 = vector.extract %reduce_max3A_108[15] : f32 from vector<16xf32>
    %eq3A_110 = vector.broadcast %reduce_max3A_109 : f32 to vector<16xf32>
    %eq3A_111 = arith.cmpf oeq, %scan3A_104#0, %eq3A_110 : vector<16xf32>
    %jit3A_112 = arith.constant 8192 : i32
    %broadcast_in_dim3A_113 = vector.broadcast %jit3A_112 : i32 to vector<16xi32>
    %select_n3A_114 = arith.select %eq3A_111, %scan3A_104#3, %broadcast_in_dim3A_113 : vector<16xi1>, vector<16xi32>
    %reduce_min3A_115 = arith.constant true
    %reduce_min3A_116 = vector.broadcast %reduce_min3A_115 : i1 to vector<16xi1>
    %reduce_min3A_117 = arith.constant -2147483648 : i32
    %reduce_min3A_118 = vector.broadcast %reduce_min3A_117 : i32 to vector<16xi32>
    %reduce_min3A_119 = arith.xori %select_n3A_114, %reduce_min3A_118 : vector<16xi32>
    %reduce_min3A_120 = tpu.scan <min>, %reduce_min3A_119 masked %reduce_min3A_116 : vector<16xi32>, vector<16xi1> -> vector<16xi32>
    %reduce_min3A_121 = arith.xori %reduce_min3A_120, %reduce_min3A_118 : vector<16xi32>
    %reduce_min3A_122 = vector.extract %reduce_min3A_121[15] : i32 from vector<16xi32>
    %eq3A_123 = vector.broadcast %reduce_min3A_122 : i32 to vector<16xi32>
    %eq3A_124 = arith.cmpi eq, %scan3A_104#3, %eq3A_123 : vector<16xi32>
    %and3A_125 = arith.andi %eq3A_111, %eq3A_124 : vector<16xi1>
    %select_n3A_126 = arith.select %and3A_125, %scan3A_104#1, %scan3A_104#0 : vector<16xi1>, vector<16xf32>
    %select_n3A_127 = arith.select %and3A_125, %scan3A_104#4, %scan3A_104#3 : vector<16xi1>, vector<16xi32>
    %select_n3A_128 = arith.select %and3A_125, %scan3A_104#2, %scan3A_104#1 : vector<16xi1>, vector<16xf32>
    %select_n3A_129 = arith.select %and3A_125, %scan3A_104#5, %scan3A_104#4 : vector<16xi1>, vector<16xi32>
    %jit3A_130 = arith.constant -1.000000e+00 : f32
    %broadcast_in_dim3A_131 = vector.broadcast %jit3A_130 : f32 to vector<16xf32>
    %select_n3A_132 = arith.select %and3A_125, %broadcast_in_dim3A_131, %scan3A_104#2 : vector<16xi1>, vector<16xf32>
    %reduce_max3A_133 = arith.constant true
    %reduce_max3A_134 = vector.broadcast %reduce_max3A_133 : i1 to vector<16xi1>
    %reduce_max3A_135 = tpu.scan <max>, %select_n3A_126 masked %reduce_max3A_134 : vector<16xf32>, vector<16xi1> -> vector<16xf32>
    %reduce_max3A_136 = vector.extract %reduce_max3A_135[15] : f32 from vector<16xf32>
    %eq3A_137 = vector.broadcast %reduce_max3A_136 : f32 to vector<16xf32>
    %eq3A_138 = arith.cmpf oeq, %select_n3A_126, %eq3A_137 : vector<16xf32>
    %jit3A_139 = arith.constant 8192 : i32
    %broadcast_in_dim3A_140 = vector.broadcast %jit3A_139 : i32 to vector<16xi32>
    %select_n3A_141 = arith.select %eq3A_138, %select_n3A_127, %broadcast_in_dim3A_140 : vector<16xi1>, vector<16xi32>
    %reduce_min3A_142 = arith.constant true
    %reduce_min3A_143 = vector.broadcast %reduce_min3A_142 : i1 to vector<16xi1>
    %reduce_min3A_144 = arith.constant -2147483648 : i32
    %reduce_min3A_145 = vector.broadcast %reduce_min3A_144 : i32 to vector<16xi32>
    %reduce_min3A_146 = arith.xori %select_n3A_141, %reduce_min3A_145 : vector<16xi32>
    %reduce_min3A_147 = tpu.scan <min>, %reduce_min3A_146 masked %reduce_min3A_143 : vector<16xi32>, vector<16xi1> -> vector<16xi32>
    %reduce_min3A_148 = arith.xori %reduce_min3A_147, %reduce_min3A_145 : vector<16xi32>
    %reduce_min3A_149 = vector.extract %reduce_min3A_148[15] : i32 from vector<16xi32>
    %eq3A_150 = vector.broadcast %reduce_min3A_149 : i32 to vector<16xi32>
    %eq3A_151 = arith.cmpi eq, %select_n3A_127, %eq3A_150 : vector<16xi32>
    %and3A_152 = arith.andi %eq3A_138, %eq3A_151 : vector<16xi1>
    %select_n3A_153 = arith.select %and3A_152, %select_n3A_128, %select_n3A_126 : vector<16xi1>, vector<16xf32>
    %select_n3A_154 = arith.select %and3A_152, %select_n3A_129, %select_n3A_127 : vector<16xi1>, vector<16xi32>
    %select_n3A_155 = arith.select %and3A_152, %select_n3A_132, %select_n3A_128 : vector<16xi1>, vector<16xf32>
    %select_n3A_156 = arith.select %and3A_152, %scan3A_104#5, %select_n3A_129 : vector<16xi1>, vector<16xi32>
    %jit3A_157 = arith.constant -1.000000e+00 : f32
    %broadcast_in_dim3A_158 = vector.broadcast %jit3A_157 : f32 to vector<16xf32>
    %select_n3A_159 = arith.select %and3A_152, %broadcast_in_dim3A_158, %select_n3A_132 : vector<16xi1>, vector<16xf32>
    %reduce_max3A_160 = arith.constant true
    %reduce_max3A_161 = vector.broadcast %reduce_max3A_160 : i1 to vector<16xi1>
    %reduce_max3A_162 = tpu.scan <max>, %select_n3A_153 masked %reduce_max3A_161 : vector<16xf32>, vector<16xi1> -> vector<16xf32>
    %reduce_max3A_163 = vector.extract %reduce_max3A_162[15] : f32 from vector<16xf32>
    %eq3A_164 = vector.broadcast %reduce_max3A_163 : f32 to vector<16xf32>
    %eq3A_165 = arith.cmpf oeq, %select_n3A_153, %eq3A_164 : vector<16xf32>
    %jit3A_166 = arith.constant 8192 : i32
    %broadcast_in_dim3A_167 = vector.broadcast %jit3A_166 : i32 to vector<16xi32>
    %select_n3A_168 = arith.select %eq3A_165, %select_n3A_154, %broadcast_in_dim3A_167 : vector<16xi1>, vector<16xi32>
    %reduce_min3A_169 = arith.constant true
    %reduce_min3A_170 = vector.broadcast %reduce_min3A_169 : i1 to vector<16xi1>
    %reduce_min3A_171 = arith.constant -2147483648 : i32
    %reduce_min3A_172 = vector.broadcast %reduce_min3A_171 : i32 to vector<16xi32>
    %reduce_min3A_173 = arith.xori %select_n3A_168, %reduce_min3A_172 : vector<16xi32>
    %reduce_min3A_174 = tpu.scan <min>, %reduce_min3A_173 masked %reduce_min3A_170 : vector<16xi32>, vector<16xi1> -> vector<16xi32>
    %reduce_min3A_175 = arith.xori %reduce_min3A_174, %reduce_min3A_172 : vector<16xi32>
    %reduce_min3A_176 = vector.extract %reduce_min3A_175[15] : i32 from vector<16xi32>
    %eq3A_177 = vector.broadcast %reduce_min3A_176 : i32 to vector<16xi32>
    %eq3A_178 = arith.cmpi eq, %select_n3A_154, %eq3A_177 : vector<16xi32>
    %and3A_179 = arith.andi %eq3A_165, %eq3A_178 : vector<16xi1>
    %select_n3A_180 = arith.select %and3A_179, %select_n3A_155, %select_n3A_153 : vector<16xi1>, vector<16xf32>
    %select_n3A_181 = arith.select %and3A_179, %select_n3A_156, %select_n3A_154 : vector<16xi1>, vector<16xi32>
    %select_n3A_182 = arith.select %and3A_179, %select_n3A_159, %select_n3A_155 : vector<16xi1>, vector<16xf32>
    %select_n3A_183 = arith.select %and3A_179, %scan3A_104#5, %select_n3A_156 : vector<16xi1>, vector<16xi32>
    %jit3A_184 = arith.constant -1.000000e+00 : f32
    %broadcast_in_dim3A_185 = vector.broadcast %jit3A_184 : f32 to vector<16xf32>
    %select_n3A_186 = arith.select %and3A_179, %broadcast_in_dim3A_185, %select_n3A_159 : vector<16xi1>, vector<16xf32>
    %dma_wait3A_187 = arith.constant 0 : i32
    %dma_wait3A_188 = tpu.memref_slice %arg3[%mul3A_2, %dma_wait3A_187] : memref<64x8192xf32, #tpu.memory_space<hbm>> -> memref<2x8192xf32, #tpu.memory_space<hbm>>
    %dma_wait3A_189 = arith.constant 0 : i32
    %dma_wait3A_190 = tpu.memref_slice %arg3[%mul3A_2, %dma_wait3A_189] : memref<64x8192xf32, #tpu.memory_space<hbm>> -> memref<2x8192xf32, #tpu.memory_space<hbm>>
    tpu.wait_dma2 semaphore(%arg10 : memref<!tpu.dma_semaphore, #tpu.memory_space<semaphore_mem>>) src(%dma_wait3A_190 : memref<2x8192xf32, #tpu.memory_space<hbm>>) dst(%arg7 : memref<2x8192xf32, #tpu.memory_space<vmem>>)
    tpu.wait_dma2 semaphore(%arg11 : memref<!tpu.dma_semaphore, #tpu.memory_space<semaphore_mem>>) src(%arg4 : memref<16xf32, #tpu.memory_space<hbm>>) dst(%arg8 : memref<16xf32, #tpu.memory_space<vmem>>)
    %get3A = arith.constant 0 : index
    %get3A_191 = tpu.vector_load %arg8[%get3A] {strides = array<i32>} : memref<16xf32, #tpu.memory_space<vmem>>, vector<16xf32>,
    %lt3A = arith.constant 3 : i32
    %lt3A_192 = vector.broadcast %lt3A : i32 to vector<16xi32>
    %lt3A_193 = arith.cmpi slt, %iota3A, %lt3A_192 : vector<16xi32>
    %broadcast_in_dim3A_194 = arith.constant 0 : i32
    %broadcast_in_dim3A_195 = vector.broadcast %broadcast_in_dim3A_194 : i32 to vector<16xi32>
    %eq3A_196 = arith.constant 0 : i32
    %eq3A_197 = vector.broadcast %eq3A_196 : i32 to vector<16xi32>
    %eq3A_198 = arith.cmpi eq, %iota3A, %eq3A_197 : vector<16xi32>
    %eq3A_199 = arith.constant 1 : i32
    %eq3A_200 = vector.broadcast %eq3A_199 : i32 to vector<16xi32>
    %eq3A_201 = arith.cmpi eq, %iota3A, %eq3A_200 : vector<16xi32>
    %eq3A_202 = arith.constant 2 : i32
    %eq3A_203 = vector.broadcast %eq3A_202 : i32 to vector<16xi32>
    %eq3A_204 = arith.cmpi eq, %iota3A, %eq3A_203 : vector<16xi32>
    %broadcast_in_dim3A_205 = vector.broadcast %reduce_min3A_85 : i32 to vector<16xi32>
    %select_n3A_206 = arith.select %eq3A_204, %broadcast_in_dim3A_205, %broadcast_in_dim3A_195 : vector<16xi1>, vector<16xi32>
    %broadcast_in_dim3A_207 = vector.broadcast %reduce_min3A_58 : i32 to vector<16xi32>
    %select_n3A_208 = arith.select %eq3A_201, %broadcast_in_dim3A_207, %select_n3A_206 : vector<16xi1>, vector<16xi32>
    %broadcast_in_dim3A_209 = vector.broadcast %reduce_min3A_32 : i32 to vector<16xi32>
    %select_n3A_210 = arith.select %eq3A_198, %broadcast_in_dim3A_209, %select_n3A_208 : vector<16xi1>, vector<16xi32>
    %broadcast_in_dim3A_211 = arith.constant 0 : i32
    %broadcast_in_dim3A_212 = vector.broadcast %broadcast_in_dim3A_211 : i32 to vector<16xi32>
    tpu.vector_store_idx %arg7[%broadcast_in_dim3A_212, %select_n3A_210], %get3A_191 masked %lt3A_193 {add = true} : memref<2x8192xf32, #tpu.memory_space<vmem>>[vector<16xi32>, vector<16xi32>], vector<16xf32>, vector<16xi1>
    %eq3A_213 = arith.constant 0 : i32
    %eq3A_214 = vector.broadcast %eq3A_213 : i32 to vector<16xi32>
    %eq3A_215 = arith.cmpi eq, %iota3A, %eq3A_214 : vector<16xi32>
    %eq3A_216 = arith.constant 1 : i32
    %eq3A_217 = vector.broadcast %eq3A_216 : i32 to vector<16xi32>
    %eq3A_218 = arith.cmpi eq, %iota3A, %eq3A_217 : vector<16xi32>
    %eq3A_219 = arith.constant 2 : i32
    %eq3A_220 = vector.broadcast %eq3A_219 : i32 to vector<16xi32>
    %eq3A_221 = arith.cmpi eq, %iota3A, %eq3A_220 : vector<16xi32>
    %broadcast_in_dim3A_222 = vector.broadcast %reduce_min3A_176 : i32 to vector<16xi32>
    %select_n3A_223 = arith.select %eq3A_221, %broadcast_in_dim3A_222, %broadcast_in_dim3A_195 : vector<16xi1>, vector<16xi32>
    %broadcast_in_dim3A_224 = vector.broadcast %reduce_min3A_149 : i32 to vector<16xi32>
    %select_n3A_225 = arith.select %eq3A_218, %broadcast_in_dim3A_224, %select_n3A_223 : vector<16xi1>, vector<16xi32>
    %broadcast_in_dim3A_226 = vector.broadcast %reduce_min3A_122 : i32 to vector<16xi32>
    %select_n3A_227 = arith.select %eq3A_215, %broadcast_in_dim3A_226, %select_n3A_225 : vector<16xi1>, vector<16xi32>
    %broadcast_in_dim3A_228 = arith.constant 1 : i32
    %broadcast_in_dim3A_229 = vector.broadcast %broadcast_in_dim3A_228 : i32 to vector<16xi32>
    tpu.vector_store_idx %arg7[%broadcast_in_dim3A_229, %select_n3A_227], %get3A_191 masked %lt3A_193 {add = true} : memref<2x8192xf32, #tpu.memory_space<vmem>>[vector<16xi32>, vector<16xi32>], vector<16xf32>, vector<16xi1>
    "tpu.region"() ({
      %run_scoped3A = tpu.sem_alloc : memref<!tpu.dma_semaphore, #tpu.memory_space<semaphore_mem>>
      %dma_start3A_230 = arith.constant 0 : i32
      %dma_start3A_231 = tpu.memref_slice %arg5[%mul3A_2, %dma_start3A_230] : memref<64x8192xf32, #tpu.memory_space<hbm>> -> memref<2x8192xf32, #tpu.memory_space<hbm>>
      %dma_start3A_232 = arith.constant 0 : i32
      %dma_start3A_233 = tpu.memref_slice %arg5[%mul3A_2, %dma_start3A_232] : memref<64x8192xf32, #tpu.memory_space<hbm>> -> memref<2x8192xf32, #tpu.memory_space<hbm>>
      tpu.enqueue_dma source(%arg7 : memref<2x8192xf32, #tpu.memory_space<vmem>>) target(%dma_start3A_233 : memref<2x8192xf32, #tpu.memory_space<hbm>>) target_semaphore(%run_scoped3A : memref<!tpu.dma_semaphore, #tpu.memory_space<semaphore_mem>>)
      %dma_wait3A_234 = arith.constant 0 : i32
      %dma_wait3A_235 = tpu.memref_slice %arg5[%mul3A_2, %dma_wait3A_234] : memref<64x8192xf32, #tpu.memory_space<hbm>> -> memref<2x8192xf32, #tpu.memory_space<hbm>>
      %dma_wait3A_236 = arith.constant 0 : i32
      %dma_wait3A_237 = tpu.memref_slice %arg5[%mul3A_2, %dma_wait3A_236] : memref<64x8192xf32, #tpu.memory_space<hbm>> -> memref<2x8192xf32, #tpu.memory_space<hbm>>
      tpu.wait_dma2 semaphore(%run_scoped3A : memref<!tpu.dma_semaphore, #tpu.memory_space<semaphore_mem>>) src(%arg7 : memref<2x8192xf32, #tpu.memory_space<vmem>>) dst(%dma_wait3A_237 : memref<2x8192xf32, #tpu.memory_space<hbm>>)
      tpu.yield
    }) : () -> ()
    return
  }
}

</mosaic_0001>

<sc_bundles>
// kernel: _top3_sc.3.cloned.1.call-start
scs
__scs_entry_jumppad:
0x0: {  	(pc) =	sbr.rel $0x88, $3  }
0x1: {  	(tag) =	ssettag $0x0;
	lr =	simm.s32 $0x1  }
0x2: {  	[smem:$0x3F9E] =	sst lr;
	_ =	strace $0xD0000000  }
0x3: {  	_ = 	snop  }
0x4: {  	_ = 	snop  }
0x5: {  	_ = 	snop  }
0x6: {  	_ = 	snop  }
0x7: {  	_ = 	snop  }
__scs_overlays_trampoline_lowered:
0x8: {  	[smem:$0x3FAD] =	sst s0  }
0x9: {  	[smem:$0x3FAE] =	sst s1  }
0xa: {  	[smem:$0x3FAF] =	sst s2  }
0xb: {  	[smem:$0x3FB0] =	sst s3  }
0xc: {  	[smem:$0x3FB1] =	sst s4  }
0xd: {  	[smem:$0x3FB2] =	sst s5  }
0xe: {  	[smem:$0x3FB3] =	sst s6  }
0xf: {  	[smem:$0x3FB4] =	sst s7  }
0x10: {  	[smem:$0x3FB5] =	sst s8  }
0x11: {  	[smem:$0x3FB6] =	sst s9;
	s0 =	simm.s32 @!p0 $0x0  }
0x12: {  	s1 =	sld [smem:$0x3F9C];
	s0 =	simm.s32 @p0 $0x1  }
0x13: {  	[smem:$0x3FB7] =	sst s0;
	s0 =	simm.s32 @!p1 $0x0  }
0x14: {  	s2 =	sld [smem:$0x3F9B];
	s0 =	simm.s32 @p1 $0x1  }
0x15: {  	[smem:$0x3FB8] =	sst s0;
	s0 =	simm.s32 @!p2 $0x0  }
0x16: {  	s3 =	sld [smem:$0x3FDB];
	s0 =	simm.s32 @p2 $0x1  }
0x17: {  	s4 =	simm.s32 $0x1BF5;
	[smem:$0x3FBA] =	sst s0  }
0x18: {  	s0 =	sld [smem:$0x3F9D];
	_ =	swait.ge [sflag:s4], $0x0  }
0x19: {  	s7 =	sld [smem:$0x3F9E]  }
0x1a: {  	s8 =	sadd.s32 $0xFFFFE003, lr  }
0x1b: {  	s9 =	sadd.s32 $0xFFFFFEF7, lr;
	s5 =	simm.s32 $0xFFFFFFFF;
	p2 =	slt.u32 s8, $0xFFFFF086  }
0x1c: {  	p1 =	slt.u32 s9, $0xF7A;
	s5 =	simm.s32 @!p2 $0x0  }
0x1d: {  	s5 =	simm.s32 @p1 $0x1;
	p0 =	seq.s32 s7, s2  }
0x1e: {  	s7 =	smul.u32 @!p0 $0xF7A, s2;
	p2 =	seq.s32 @!p0 s5, $0x0  }
0x1f: {  	s9 =	smul.u32 $0xF7A, s1;
	s8 =	simm.s32 @!p0 $0x1BF5;
	p2 =	por !p2, p0  }
0x20: {  	[sflag:s8] =	ssyncset.s32 @!p0 $0xFFFFF086;
	s6 =	sadd.s32 @!p0 s3, s7;
	s7 =	simm.s32 @!p0 $0x108  }
0x21: {  	s3 =	sadd.s32 s3, s9;
	s6 =	sadd.s32 @!p0 $0x88, s6;
	s7 =	simm.s32 @p2 $0x1082  }
0x22: {  	[simem:s7], [sflag:s8] =	dma.local @!p0 [hbm:s6], $0xF7A  }
0x23: {  	s9 =	sor.u32 $0xD0000000, s2;
	s6 =	simm.s32 $0x108;
	_ =	swait.ge @!p0 [sflag:s8], $0x0  }
0x24: {  	s3 =	sadd.s32 $0x88, s3;
	s6 =	simm.s32 @!p1 $0x1082;
	[sflag:s4] =	ssyncset.s32 $0xFFFFF086  }
0x25: {  	[simem:s6], [sflag:s4] =	dma.local [hbm:s3], $0xF7A  }
0x26: {  	[smem:$0x3F9E] =	sst s1;
	(tag) =	ssettag s2;
	_ =	strace s9  }
0x27: {  	s1 =	sld [smem:$0x3FAE]  }
0x28: {  	s2 =	sld [smem:$0x3FAF]  }
0x29: {  	s4 =	sld [smem:$0x3FB1]  }
0x2a: {  	p0 =	seq.s32 s5, $0x0;
	s5 =	sld [smem:$0x3FB2]  }
0x2b: {  	s6 =	sld [smem:$0x3FB3]  }
0x2c: {  	s7 =	sld [smem:$0x3FB4]  }
0x2d: {  	s3 =	simm.s32 $0x108;
	s8 =	sld [smem:$0x3FB5]  }
0x2e: {  	s3 =	simm.s32 @!p0 $0x1082;
	s9 =	sld [smem:$0x3FB6]  }
0x2f: {  	lr =	sadd.s32 s0, s3;
	s0 =	sld [smem:$0x3FAD]  }
0x30: {  	s3 =	sld [smem:$0x3FB0]  }
0x31: {  	[smem:$0x3FB9] =	sst s10  }
0x32: {  	s10 =	sld [smem:$0x3FB7];
	_ =	sdelay $0x3  }
0x33: {  	p0 =	seq.s32 s10, $0x1;
	s10 =	sld [smem:$0x3FB9];
	_ =	sdelay $0x3  }
0x34: {  	[smem:$0x3FB9] =	sst s10  }
0x35: {  	s10 =	sld [smem:$0x3FB8];
	_ =	sdelay $0x3  }
0x36: {  	p1 =	seq.s32 s10, $0x1;
	s10 =	sld [smem:$0x3FB9];
	_ =	sdelay $0x3  }
0x37: {  	[smem:$0x3FB9] =	sst s10  }
0x38: {  	s10 =	sld [smem:$0x3FBA]  }
0x39: {  	_ = 	snop;
	(pc) =	sbr.ind lr, $3  }
0x3a: {  	_ = 	snop  }
0x3b: {  	_ = 	snop  }
0x3c: {  	p2 =	seq.s32 s10, $0x1;
	s10 =	sld [smem:$0x3FB9]  }
0x3d: {  	_ =	shalt  }
0x3e: {  	_ =	shalt  }
0x3f: {  	_ =	shalt  }
0x40: {  	_ =	shalt  }
0x41: {  	_ =	shalt  }
0x42: {  	_ =	shalt  }
0x43: {  	_ =	shalt  }
0x44: {  	_ =	shalt  }
0x45: {  	_ =	shalt  }
0x46: {  	_ =	shalt  }
0x47: {  	_ =	shalt  }
0x48: {  	_ =	shalt  }
0x49: {  	_ =	shalt  }
0x4a: {  	_ =	shalt  }
0x4b: {  	_ =	shalt  }
0x4c: {  	_ =	shalt  }
0x4d: {  	_ =	shalt  }
0x4e: {  	_ =	shalt  }
0x4f: {  	_ =	shalt  }
0x50: {  	_ =	shalt  }
0x51: {  	_ =	shalt  }
0x52: {  	_ =	shalt  }
0x53: {  	_ =	shalt  }
0x54: {  	_ =	shalt  }
0x55: {  	_ =	shalt  }
0x56: {  	_ =	shalt  }
0x57: {  	_ =	shalt  }
0x58: {  	_ =	shalt  }
0x59: {  	_ =	shalt  }
0x5a: {  	_ =	shalt  }
0x5b: {  	_ =	shalt  }
0x5c: {  	_ =	shalt  }
0x5d: {  	_ =	shalt  }
0x5e: {  	_ =	shalt  }
0x5f: {  	_ =	shalt  }
0x60: {  	_ =	shalt  }
0x61: {  	_ =	shalt  }
0x62: {  	_ =	shalt  }
0x63: {  	_ =	shalt  }
0x64: {  	_ =	shalt  }
0x65: {  	_ =	shalt  }
0x66: {  	_ =	shalt  }
0x67: {  	_ =	shalt  }
0x68: {  	_ =	shalt  }
0x69: {  	_ =	shalt  }
0x6a: {  	_ =	shalt  }
0x6b: {  	_ =	shalt  }
0x6c: {  	_ =	shalt  }
0x6d: {  	_ =	shalt  }
0x6e: {  	_ =	shalt  }
0x6f: {  	_ =	shalt  }
0x70: {  	_ =	shalt  }
0x71: {  	_ =	shalt  }
0x72: {  	_ =	shalt  }
0x73: {  	_ =	shalt  }
0x74: {  	_ =	shalt  }
0x75: {  	_ =	shalt  }
0x76: {  	_ =	shalt  }
0x77: {  	_ =	shalt  }
0x78: {  	_ =	shalt  }
0x79: {  	_ =	shalt  }
0x7a: {  	_ =	shalt  }
0x7b: {  	_ =	shalt  }
0x7c: {  	_ =	shalt  }
0x7d: {  	_ =	shalt  }
0x7e: {  	_ =	shalt  }
0x7f: {  	_ =	shalt  }
0x80: {  	_ =	shalt  }
0x81: {  	_ =	shalt  }
0x82: {  	_ =	shalt  }
0x83: {  	_ =	shalt  }
0x84: {  	_ =	shalt  }
0x85: {  	_ =	shalt  }
0x86: {  	_ =	shalt  }
0x87: {  	_ =	shalt  }
.Lfunc_end0:
.L_simem_size_0:
called_computation_lowered:
.L_overlay_start_0:
0x88: {  	s2 =	sld [smem:$0x3FD9]  }
0x89: {  	s3 =	sld [smem:$0x3FFE];
	_ =	sdelay $0x1  }
0x8a: {  	s1 =	srdreg.scid  }
0x8b: {  	s0 =	sand.u32 $0x1, s1  }
0x8c: {  	s18 =	sshll.u32 s0, $0xA;
	s2 =	sadd.s32 s3, s2  }
0x8d: {  	s2 =	sadd.s32 s2, s18  }
0x8e: {  	[smem:$0x3FC5] =	sst s2  }
0x8f: {  	_ = 	snop  }
0x90: {  	s2 =	sld [smem:$0x3FC9]  }
0x91: {  	s19 =	sld [smem:$0x3FC8]  }
0x92: {  	s4 =	sld [smem:$0x3FC7]  }
0x93: {  	s5 =	sld [smem:$0x3FD0];
	(tm) =	ssettm $0x1  }
0x94: {  	s6 =	sld [smem:$0x3FFB];
	_ =	sdelay $0x3  }
0x95: {  	_ =	strace s6  }
0x96: {  	s6 =	sld [smem:$0x3FFC];
	_ =	sdelay $0x3  }
0x97: {  	_ =	strace s6  }
0x98: {  	s6 =	sld [smem:$0x3FFD];
	_ =	sdelay $0x3  }
0x99: {  	_ =	strace s6  }
0x9a: {  	_ =	strace $0x8FFFFFFF  }
0x9b: {  	s20 =	sld [smem:$0x3FDB];
	_ =	sdelay $0x1  }
0x9c: {  	s7 =	simm.s32 $_scs_section_size  }
0x9d: {  	s8 =	simm.s32 $_size__tile_overlayer_lowered;
	s9 =	simm.s32 $_tile_overlayer_lowered  }
0x9e: {  	s23 =	simm.s32 $0x1BFF;
	s22 =	sshll.u32 s9, $0x1;
	s6 =	sadd.s32 s7, s20  }
0x9f: {  	s10 =	simm.s32 $0x0;
	s21 =	sshll.u32 s8, $0x1;
	s8 =	sadd.s32 s22, s6  }
0xa0: {  	[timem:s10], [sflag:s23] =	dma.local [hbm:s8], s21  }
0xa1: {  	_ =	swait.ge [sflag:s23], s21  }
0xa2: {  	s7 =	ssub.s32 $0x0, s21;
	[sflag:s23] =	ssyncset.done $0x0  }
0xa3: {  	[sflag:s23] =	ssyncadd.s32 s7;
	_ =	sdelay $0x1  }
0xa4: {  	s24 =	simm.s32 $0x1B8B  }
0xa5: {  	_ =	swait.ge [sflag:s24], $0x1  }
0xa6: {  	[sflag:s24] =	ssyncset.done $0x0  }
0xa7: {  	s25 =	simm.s32 $0x1B8E;
	[sflag:s24] =	ssyncadd.s32 $0xFFFFFFFF  }
0xa8: {  	s26 =	simm.s32 $execute0_lowered;
	[smem:$0x3FD2] =	sst s25  }
0xa9: {  	s7 =	sshll.u32 s26, $0x1;
	_ =	strace $0x80000046;
	[dreg:$0x1] =	wrdreg $0xFFFFFFFF  }
0xaa: {  	s28 =	simm.s32 $_size_execute0_lowered;
	s6 =	sadd.s32 s6, s7;
	[dreg:$0x0] =	wrdreg $0x0  }
0xab: {  	s7 =	sshll.u32 s28, $0x1;
	[dreg:$0x2] =	wrdreg s6  }
0xac: {  	[dreg:$0x3] =	wrdreg s7  }
0xad: {  	[dreg:$0x4] =	wrdreg $0xC0  }
0xae: {  	_ =	task [dreg:s10], $0x5FFFF  }
0xaf: {  	[dreg:$0x1] =	wrdreg $0xFFFFFFFF  }
0xb0: {  	[dreg:$0x0] =	wrdreg $0x60  }
0xb1: {  	[dreg:$0x2] =	wrdreg s2  }
0xb2: {  	[dreg:$0x3] =	wrdreg s19  }
0xb3: {  	[dreg:$0x4] =	wrdreg s4  }
0xb4: {  	[dreg:$0x5] =	wrdreg s5  }
0xb5: {  	[dreg:$0x6] =	wrdreg $0x9  }
0xb6: {  	_ =	task.clear_ibuf [dreg:s10], $0x7FFFF;
	_ =	strace $0x90000046  }
0xb7: {  	s29 =	simm.s32 $0x9;
	_ =	strace $0x80000048  }
0xb8: {  	_ =	swait.ge [sflag:s29], $0x1  }
0xb9: {  	[sflag:s29] =	ssyncadd.s32 $0xFFFFFFFF  }
0xba: {  	_ =	strace $0x90000048  }
0xbb: {  	_ =	sfence  }
0xbc: {  	s30 =	sld [smem:$0x0];
	_ =	sdelay $0x2  }
0xbd: {  	s31 =	sshll.u32 s1, $0xD;
	s1 =	sshrl.u32 s1, $0x2  }
0xbe: {  	s3 =	sand.u32 $0x4000, s31;
	s1 =	sadd.s32 s1, s30  }
0xbf: {  	s0 =	sor.u32 s3, s0;
	s1 =	sshll.u32 s1, $0x11  }
0xc0: {  	s0 =	sor.u32 s1, s0  }
0xc1: {  	s0 =	sadd.s32 $0x8F2B, s0  }
0xc2: {  	[sflag:s0] =	ssyncadd.remote.s32 $0x1  }
0xc3: {  	_ =	sfence.sel $0xFFFF  }
0xc4: {  	[dreg:$0x0] =	wrdreg $0xFFFFFFFF;
	(pc) =	sbr.abs _section_cstart, $3  }
0xc5: {  	[dreg:$0x1] =	wrdreg $0xFFFFFFFF  }
0xc6: {  	_ =	task.clear_ibuf [dreg:s10], $0x2FFFF;
	_ =	strace $0x9FFFFFFF  }
0xc7: {  	(tm) =	ssettm $0x7FFFFFFF  }
tec
execute0_lowered:
.L_overlay_start_1:
0x0: {  	(tag) =	ssettag $0x1  }
0x1: {  	s4 =	rddreg [dreg:$0x0]  }
0x2: {  	s5 =	rddreg [dreg:$0x1]  }
0x3: {  	s2 =	rddreg [dreg:$0x2]  }
0x4: {  	s6 =	rddreg [dreg:$0x3]  }
0x5: {  	s0 =	rddreg [dreg:$0x4]  }
0x6: {  	s7 =	srdreg.scid;
	s1 =	stileid.u32  }
0x7: {  	s3 =	simm.s32 $0x0;
	s11 =	simm.s32 $0x8000;
	s12 =	simm.s32 $0x1  }
0x8: {  	s13 =	simm.s32 $0x2;
	s14 =	simm.s32 $0x3;
	s15 =	simm.s32 $0x4  }
0x9: {  	s16 =	simm.s32 $0x0;
	s7 =	sand.u32 $0x1, s7;
	s8 =	sshll.u32 s1, $0x6  }
0xa: {  	s10 =	sshll.u32 s1, $0xC;
	[smem:$0x7FF] =	sst s3;
	s9 =	sshll.u32 s7, $0x5  }
0xb: {  	s8 =	sand.u32 $0x40, s8;
	s7 =	ssub.s32 $0x2, s7;
	s10 =	sand.u32 $0xE000, s10  }
0xc: {  	_ =	strace $0x80000047;
	s8 =	sor.u32 s9, s8;
	s31 =	sshrl.u32 s7, $0x1  }
0xd: {  	s9 =	simm.s32 $0x400;
	s8 =	sor.u32 s10, s8;
	s7 =	ssub.s32 s7, s31  }
0xe: {  	v0 =	vimm.s32 $0xF;
	v1 =	vlaneseq.u32;
	v2 =	vimm.s32 $0x0;
	s10 =	simm.s32 $0x4000;
	s4 =	sadd.s32 s4, s8;
	s5 =	sadd.s32 s5, s8  }
0xf: {  	vm0 =	vcmask $0x3F0C;
	vm1 =	vcmask $0x3F08;
	v3 =	vperm.xlane v2, v1;
	s6 =	sadd.s32 s6, s8;
	s7 =	smax.u32 s7, $0x1;
	s8 =	simm.s32 $0x100  }
.LBB2_1:
0x10: {  	[tilespmem:s3], [sflag:$0x1] =	stream.strided.gather [hbm4b:s4+s8], $0x4000, s9, s8, $0x38;
	[tilespmem:$0x8080] =	vst v63  }
0x11: {  	_ = 	snop  }
0x12: {  	[tilespmem:s10], [sflag:$0x2] =	stream.strided.gather [hbm4b:s5+s8], $0x4000, s9, s8, $0x38;
	[tilespmem:$0x8080] =	vst v63  }
0x13: {  	_ = 	snop  }
0x14: {  	[tilespmem:s11], [sflag:$0x3] =	stream.linear.gather [hbm4b:s2+s3], $0x80, $0x38;
	[tilespmem:$0x8080] =	vst v63  }
0x15: {  	_ =	swait.ge [sflag:s12], $0x4000  }
0x16: {  	s17 =	sand.u32 $0x70, s3;
	s18 =	sand.u32 $0x3F00, s3;
	[sflag:s12] =	ssyncset.done $0x0  }
0x17: {  	s17 =	sor.u32 s17, s18;
	[sflag:s12] =	ssyncadd.s32 $0xFFFFC000  }
0x18: {  	v5 =	vld [tilespmem:s17+$0x0];
	_ =	sdelay $0x3  }
0x19: {  	v4 =	vimm.f32 $-1.000000000e+00;
	s31 =	simm.s32 $0x10;
	v13 =	vimm.f32 $-1.000000000e+00;
	v11 =	vimm.s32 $0x0;
	s17 =	simm.s32 $0x20  }
0x1a: {  	v8 =	vimm.f32 $-1.000000000e+00;
	v12 =	vlaneseq.u32;
	s18 =	sand.u32 $0x70, s31;
	s19 =	sand.u32 $0x3F00, s17;
	v7 =	vand.u32 $0x7FFFFFFF, v5  }
0x1b: {  	v14 =	vimm.s32 $0x0;
	v10 =	vimm.s32 $0x0;
	s19 =	sor.u32 s18, s19;
	vm2 =	vgt.f32 v7, v4  }
0x1c: {  	v9 =	vld [tilespmem:s19+$0x0];
	v5 =	vadd.s32 $0x10, v1;
	v6 =	vsel vm2, v1, v2;
	v16 =	vsel vm2, v1, v2  }
0x1d: {  	s18 =	simm.s32 $0x20;
	v15 =	vsel vm2, v7, v4;
	vm3 =	vmmov vm2;
	vm4 =	vmmov vm2  }
.LBB2_2:
0x1e: {  	p0 =	sne.s32 s18, $0x1FF0;
	v17 =	vsel vm2, v7, v13;
	v16 =	vsel vm3, v11, v16;
	v15 =	vsel vm2, v13, v15;
	v11 =	vmovc v6;
	s19 =	smov.u32 s18;
	s18 =	sadd.s32 $0x10, s18  }
.Ltmp0:
0x1f: {  	s17 =	sadd.s32 $0x20, s17;
	v13 =	vsel vm3, v8, v17;
	v8 =	vsel vm3, v7, v8;
	v7 =	vsel vm4, v12, v14;
	v12 =	vmovc v5;
	(pc) =	sbr.rel @p0 .LBB2_2-.Ltmp0, $4  }
0x20: {  	s19 =	sand.u32 $0x70, s19;
	s20 =	sand.u32 $0x3F00, s17;
	v14 =	vsel vm2, v10, v7;
	v10 =	vmov v16  }
0x21: {  	v5 =	vadd.s32 $0x10, v5;
	s19 =	sor.u32 s19, s20;
	v7 =	vand.u32 $0x7FFFFFFF, v9  }
0x22: {  	v9 =	vld [tilespmem:s19+$0x0];
	vm3 =	vgt.f32 v7, v8;
	vm2 =	vgt.f32 v7, v13;
	vm4 =	vgt.f32 v7, v15  }
0x23: {  	v6 =	vsel vm3, v12, v6;
	v16 =	vsel vm2, v12, v16;
	v15 =	vsel vm4, v7, v15  }
0x24: {  	_ = 	snop  }
0x25: {  	s17 =	simm.s32 $0x0;
	v17 =	vsel vm2, v7, v13  }
0x26: {  	v11 =	vsel vm3, v11, v16;
	v13 =	vsel vm2, v13, v15;
	v7 =	vsel vm3, v7, v8;
	s18 =	sand.u32 $0x70, s17;
	s17 =	sand.u32 $0x3F00, s17  }
0x27: {  	v12 =	vsel vm4, v12, v14;
	v8 =	vsel vm3, v8, v17;
	s17 =	sor.u32 s18, s17;
	v9 =	vand.u32 $0x7FFFFFFF, v9  }
0x28: {  	v10 =	vsel vm2, v10, v12;
	v12 =	vld [tilespmem:s17+$0x80];
	vm2 =	vgt.f32 v9, v7;
	vm3 =	vgt.f32 v9, v8  }
0x29: {  	vm4 =	vgt.f32 v9, v13;
	v18 =	vsel vm2, v5, v6;
	v14 =	vsel vm3, v5, v11  }
0x2a: {  	v15 =	vsel vm4, v9, v13;
	v17 =	vsel vm3, v9, v8;
	v21 =	vsel vm2, v9, v7  }
0x2b: {  	v5 =	vsel vm4, v5, v10;
	v9 =	vimm.s32 $0x0;
	v13 =	vsel vm2, v6, v14  }
0x2c: {  	s31 =	simm.s32 $0x10;
	s17 =	simm.s32 $0x20;
	v16 =	vsel vm3, v8, v15;
	v17 =	vsel vm2, v7, v17;
	v15 =	vsel vm3, v11, v5  }
0x2d: {  	s18 =	sand.u32 $0x70, s31;
	s19 =	sand.u32 $0x3F00, s17;
	v5 =	vlaneseq.u32;
	v8 =	vimm.s32 $0x0;
	v11 =	vand.u32 $0x7FFFFFFF, v12  }
0x2e: {  	s19 =	sor.u32 s18, s19;
	v7 =	vimm.s32 $0x0;
	v6 =	vadd.s32 $0x10, v5;
	vm2 =	vgt.f32 v11, v4  }
0x2f: {  	v20 =	vld [tilespmem:s19+$0x80];
	v12 =	vimm.f32 $-1.000000000e+00;
	v10 =	vsel vm2, v5, v9;
	v19 =	vsel vm2, v5, v9  }
0x30: {  	s18 =	simm.s32 $0x20;
	v14 =	vsel vm2, v11, v4;
	vm4 =	vmmov vm2;
	vm3 =	vmmov vm2  }
.LBB2_4:
0x31: {  	p0 =	sne.s32 s18, $0x1FF0;
	v22 =	vsel vm2, v11, v4;
	v19 =	vsel vm4, v9, v19;
	v14 =	vsel vm2, v4, v14;
	v9 =	vmovc v10;
	s19 =	smov.u32 s18;
	s18 =	sadd.s32 $0x10, s18  }
.Ltmp1:
0x32: {  	s17 =	sadd.s32 $0x20, s17;
	v8 =	vsel vm3, v5, v8;
	v5 =	vmovc v6;
	v4 =	vsel vm4, v12, v22;
	v12 =	vsel vm4, v11, v12;
	(pc) =	sbr.rel @p0 .LBB2_4-.Ltmp1, $4  }
0x33: {  	s19 =	sand.u32 $0x70, s19;
	s20 =	sand.u32 $0x3F00, s17;
	v8 =	vsel vm2, v7, v8;
	v7 =	vmov v19  }
0x34: {  	v6 =	vadd.s32 $0x10, v6;
	s19 =	sor.u32 s19, s20;
	v11 =	vand.u32 $0x7FFFFFFF, v20  }
0x35: {  	v20 =	vld [tilespmem:s19+$0x80];
	vm4 =	vgt.f32 v11, v12;
	vm2 =	vgt.f32 v11, v4;
	vm3 =	vgt.f32 v11, v14  }
0x36: {  	v10 =	vsel vm4, v5, v10;
	v19 =	vsel vm2, v5, v19;
	v14 =	vsel vm3, v11, v14  }
0x37: {  	(xrf0) =	vmax.scan.msk.f32 $0xffff, v21;
	_ =	sdelay $0x5  }
0x38: {  	v22, _, _ =	vpop (xrf0)  }
0x39: {  	v22 =	vbroadcast v22, $0xF;
	_ =	sdelay $0x1  }
0x3a: {  	v39 =	vxor.u32 $0x80000000, v18;
	vm5 =	veq.f32 v21, v22  }
0x3b: {  	v22 =	vnsel vm5, $0x80002000, v39  }
0x3c: {  	(xrf0) =	vmin.scan.msk.u32 $0xffff, v22;
	_ =	sdelay $0x5  }
0x3d: {  	v22, _, _ =	vpop (xrf0)  }
0x3e: {  	(v2sf) =	vpush v22, $0xF;
	_ =	sdelay $0xe  }
0x3f: {  	s17 =	spop (v2sf)  }
0x40: {  	s17 =	sxor.u32 $0x80000000, s17  }
0x41: {  	vm6 =	veq.s32 v18, s17  }
0x42: {  	vm5 =	vmand vm5, vm6  }
0x43: {  	v40 =	vsel vm5, v17, v21  }
0x44: {  	(xrf0) =	vmax.scan.msk.f32 $0xffff, v40;
	_ =	sdelay $0x5  }
0x45: {  	v41, _, _ =	vpop (xrf0)  }
0x46: {  	v22 =	vbroadcast v41, $0xF  }
0x47: {  	v42 =	vsel vm5, v13, v18  }
0x48: {  	v43 =	vxor.u32 $0x80000000, v42;
	vm12 =	veq.f32 v40, v22  }
0x49: {  	v22 =	vnsel vm12, $0x80002000, v43  }
0x4a: {  	(xrf0) =	vmin.scan.msk.u32 $0xffff, v22;
	_ =	sdelay $0x5  }
0x4b: {  	v22, _, _ =	vpop (xrf0)  }
0x4c: {  	(v2sf) =	vpush v22, $0xF;
	_ =	sdelay $0xe  }
0x4d: {  	s18 =	spop (v2sf)  }
0x4e: {  	s18 =	sxor.u32 $0x80000000, s18  }
0x4f: {  	vm7 =	veq.s32 v42, s18  }
0x50: {  	v16 =	vsel vm5, v16, v17;
	vm6 =	vmand vm12, vm7  }
0x51: {  	v16 =	vsel vm6, v16, v40  }
0x52: {  	(xrf0) =	vmax.scan.msk.f32 $0xffff, v16;
	_ =	sdelay $0x5  }
0x53: {  	v44, _, _ =	vpop (xrf0)  }
0x54: {  	v45 =	vsel vm5, v15, v13;
	v46 =	vbroadcast v44, $0xF  }
0x55: {  	v47 =	vsel vm4, v11, v12;
	v13 =	vsel vm6, v45, v42  }
0x56: {  	v48 =	vand.u32 $0x7FFFFFFF, v20;
	v13 =	vxor.u32 $0x80000000, v13;
	vm13 =	veq.f32 v16, v46  }
0x57: {  	vm14 =	vgt.f32 v48, v47;
	v13 =	vnsel vm13, $0x80002000, v13  }
0x58: {  	v49 =	vsel vm14, v48, v47;
	(xrf0) =	vmin.scan.msk.u32 $0xffff, v13  }
0x59: {  	(xrf0) =	vmax.scan.msk.f32 $0xffff, v49;
	_ =	sdelay $0x4  }
0x5a: {  	v13, _, _ =	vpop (xrf0)  }
0x5b: {  	v50, _, _ =	vpop (xrf0)  }
0x5c: {  	v16 =	vbroadcast v50, $0xF  }
0x5d: {  	v51 =	vsel vm14, v6, v10  }
0x5e: {  	v52 =	vxor.u32 $0x80000000, v51;
	vm15 =	veq.f32 v49, v16  }
0x5f: {  	v16 =	vnsel vm15, $0x80002000, v52  }
0x60: {  	(xrf0) =	vmin.scan.msk.u32 $0xffff, v16;
	_ =	sdelay $0x5  }
0x61: {  	v16, _, _ =	vpop (xrf0)  }
0x62: {  	(v2sf) =	vpush v16, $0xF;
	_ =	sdelay $0xd  }
0x63: {  	v53 =	vsel vm2, v11, v4  }
0x64: {  	v11 =	vsel vm4, v12, v53;
	s19 =	spop (v2sf)  }
0x65: {  	vm12 =	vgt.f32 v48, v11;
	s19 =	sxor.u32 $0x80000000, s19  }
0x66: {  	v12 =	vsel vm12, v48, v11;
	vm8 =	veq.s32 v51, s19  }
0x67: {  	v12 =	vsel vm14, v47, v12;
	vm7 =	vmand vm15, vm8  }
0x68: {  	v15 =	vsel vm7, v12, v49  }
0x69: {  	(xrf0) =	vmax.scan.msk.f32 $0xffff, v15;
	_ =	sdelay $0x4  }
0x6a: {  	v9 =	vsel vm4, v9, v19  }
0x6b: {  	v54 =	vsel vm12, v6, v9;
	v55, _, _ =	vpop (xrf0)  }
0x6c: {  	v56 =	vsel vm14, v10, v54;
	v57 =	vbroadcast v55, $0xF  }
0x6d: {  	v58 =	vsel vm7, v56, v51  }
0x6e: {  	v59 =	vxor.u32 $0x80000000, v58;
	vm13 =	veq.f32 v15, v57  }
0x6f: {  	v16 =	vnsel vm13, $0x80002000, v59  }
0x70: {  	(xrf0) =	vmin.scan.msk.u32 $0xffff, v16;
	_ =	sdelay $0x5  }
0x71: {  	v16, _, _ =	vpop (xrf0)  }
0x72: {  	(v2sf) =	vpush v16, $0xF;
	_ =	sdelay $0xd  }
0x73: {  	v4 =	vsel vm2, v4, v14  }
0x74: {  	vm14 =	vgt.f32 v48, v4;
	s20 =	spop (v2sf)  }
0x75: {  	v4 =	vsel vm14, v48, v4;
	s20 =	sxor.u32 $0x80000000, s20  }
0x76: {  	v4 =	vsel vm12, v11, v4;
	vm15 =	veq.s32 v58, s20  }
0x77: {  	v4 =	vsel vm7, v4, v12;
	vm4 =	vmand vm13, vm15  }
0x78: {  	v4 =	vsel vm4, v4, v15  }
0x79: {  	(xrf0) =	vmax.scan.msk.f32 $0xffff, v4;
	_ =	sdelay $0x2  }
0x7a: {  	v5 =	vsel vm3, v5, v8  }
0x7b: {  	v5 =	vsel vm2, v7, v5  }
0x7c: {  	v5 =	vsel vm14, v6, v5  }
0x7d: {  	v5 =	vsel vm12, v9, v5;
	v60, _, _ =	vpop (xrf0)  }
0x7e: {  	v5 =	vsel vm7, v5, v56;
	v6 =	vbroadcast v60, $0xF  }
0x7f: {  	v5 =	vsel vm4, v5, v58  }
0x80: {  	vm2 =	veq.f32 v4, v6;
	v4 =	vxor.u32 $0x80000000, v5  }
0x81: {  	v4 =	vnsel vm2, $0x80002000, v4  }
0x82: {  	(xrf0) =	vmin.scan.msk.u32 $0xffff, v4;
	_ =	sdelay $0x5  }
0x83: {  	v4, _, _ =	vpop (xrf0)  }
0x84: {  	v5 =	vperm.xlane v13, v0;
	v4 =	vperm.xlane v4, v0  }
0x85: {  	_ =	swait.ge [sflag:s13], $0x4000  }
0x86: {  	v5 =	vsel vm0, v3, v5;
	[sflag:s13] =	ssyncset.done $0x0;
	v4 =	vsel vm0, v3, v4  }
0x87: {  	vm2 =	veq.s32 v1, $0x0;
	v5 =	vnsel vm1, s18, v5;
	[sflag:s13] =	ssyncadd.s32 $0xFFFFC000;
	v4 =	vnsel vm1, s20, v4  }
0x88: {  	v5 =	vsel vm2, s17, v5;
	_ =	swait.ge [sflag:s14], $0x80;
	v4 =	vsel vm2, s19, v4  }
0x89: {  	v61 =	vand.u32 $0x7F, v5;
	v5 =	vshll.u32 v5, $0x1;
	[sflag:s14] =	ssyncset.done $0x0;
	v62 =	vshll.u32 v4, $0x1  }
0x8a: {  	v5 =	vand.u32 $0xFFFFFF00, v5;
	[sflag:s14] =	ssyncadd.s32 $0xFFFFFF80;
	v4 =	vand.u32 $0x7F, v4;
	v7 =	vand.u32 $0xFFFFFF00, v62  }
0x8b: {  	v5 =	vor.u32 v61, v5;
	v63 =	vld [tilespmem:$0x8000];
	v4 =	vor.u32 v7, v4  }
0x8c: {  	v4 =	vor.u32 $0x80, v4;
	_ =	sdelay $0x2  }
0x8d: {  	s16 =	sadd.s32 $0x1, s16  }
0x8e: {  	p0 =	sne.s32 s16, s7;
	[tilespmem:v5+s10+$0x0] =	vst.idx.add.f32.msk $0x7, v63  }
.Ltmp2:
0x8f: {  	[tilespmem:v4+s10+$0x0] =	vst.idx.add.f32.msk $0x7, v63;
	(pc) =	sbr.rel @p0 .LBB2_1-.Ltmp2, $4  }
0x90: {  	[hbm4b:s6+s8] =	stream.strided.scatter [tilespmem:s10], [sflag:$0x4], $0x4000, s9, s8, $0x38;
	[tilespmem:$0x8080] =	vst v63  }
0x91: {  	_ =	swait.ge [sflag:s15], $0x4000  }
0x92: {  	[sflag:s15] =	ssyncset.done $0x0  }
0x93: {  	[sflag:s15] =	ssyncadd.s32 $0xFFFFC000  }
0x94: {  	_ =	sfence.sel $0x180000  }
0x95: {  	[bflag:$0x0] =	sbarrier.arrive $0xFFFF  }
0x96: {  	p0 =	sne.s32 s1, $0x0;
	_ =	strace $0x90000047  }
0x97: {  	s0 =	sadd.s32 @!p0 $0x100000, s0;
	[bflag:$0x2] =	sbarrier.arrive $0xFFFF  }
0x98: {  	[sflag:s0] =	ssyncadd.tile.s32 @!p0 $0x1;
	_ =	shalt  }
.Lfunc_end2:
_tile_overlayer_lowered:
.L_overlay_start_2:
0x99: {  	(tag) =	ssettag $0x2  }
0x9a: {  	s0 =	rddreg [dreg:$0x0];
	s2 =	stileid.u32  }
0x9b: {  	s1 =	rddreg [dreg:$0x1];
	p0 =	sne.s32 s2, $0x0  }
0x9c: {  	s3 =	rddreg [dreg:$0x2];
	[bflag:$0x3] =	sbarrier.arrive $0xFFFF;
	s2 =	simm.s32 @!p0 $0x1C04  }
0x9d: {  	[timem:s3], [sflag:s2] =	dma.local @!p0 [hbm:s0], s1  }
0x9e: {  	s0 =	simm.s32 @!p0 $0x4  }
0x9f: {  	_ =	swait.ge @!p0 [sflag:s0], s1  }
0xa0: {  	s1 =	ssub.s32 @!p0 $0x0, s1;
	[sflag:s0] =	ssyncset.done @!p0 $0x0  }
0xa1: {  	[sflag:s0] =	ssyncadd.s32 @!p0 s1  }
0xa2: {  	[bflag:$0x3] =	sbarrier.arrive $0xFFFF  }
0xa3: {  	_ =	shalt  }

</sc_bundles>
